<compile_context>
chip_gen: v7x
topology: tpu7x:2x2x1
jax: 0.10.2.dev20260603
libtpu: 0.0.44.dev20260713+nightly
codegen_flags: <defaults>
</compile_context>

<pallas_src>
import dataclasses

import numpy as np

import jax
import jax.numpy as jnp
from jax.experimental import pallas as pl
from jax.experimental.pallas import tpu as pltpu
from jax.experimental.pallas import tpu_sc as plsc

N_ATOMS = 131072
D_DESC = 48
HIDDEN = 64
N_ELEM = 8
N_STRUCT = 256

N_HALF = N_ATOMS // 2
BLOCK = 8192
NBLOCKS_H = N_HALF // BLOCK

N_SC_UNITS = 32
SC_CHUNK = N_HALF // N_SC_UNITS
SC_VEC = 16


def _mm(a, b):
    return jax.lax.dot_general(a, b, (((1,), (0,)), ((), ())),
                               preferred_element_type=jnp.float32)


def _nep_block_kernel(bias_ref, types_ref, g_ref, w1t_ref, b1_ref,
                      fold8w_ref, eatom_ref):
    a_all = _mm(g_ref[...], w1t_ref[...])
    h_all = jnp.tanh(a_all + b1_ref[...])
    e8 = _mm(h_all, fold8w_ref[...])

    t = types_ref[...]
    oh8 = (t[:, None] == jax.lax.broadcasted_iota(
        jnp.int32, (BLOCK, N_ELEM), 1)).astype(jnp.float32)
    x8t = jnp.transpose(e8 * oh8, (1, 0))
    e_row = jnp.sum(x8t, axis=0, keepdims=True) - bias_ref[0]
    eatom_ref[0] = e_row


def _tc_mlp(shared_bias, types_h, g_h, w1t, b1row, fold8w):
    e_atom = pl.pallas_call(
        _nep_block_kernel,
        grid=(NBLOCKS_H,),
        in_specs=[
            pl.BlockSpec(memory_space=pltpu.SMEM),
            pl.BlockSpec((BLOCK,), lambda i: (i,)),
            pl.BlockSpec((BLOCK, D_DESC), lambda i: (i, 0)),
            pl.BlockSpec((D_DESC, N_ELEM * HIDDEN), lambda i: (0, 0)),
            pl.BlockSpec((1, N_ELEM * HIDDEN), lambda i: (0, 0)),
            pl.BlockSpec((N_ELEM * HIDDEN, N_ELEM), lambda i: (0, 0)),
        ],
        out_specs=pl.BlockSpec((1, 1, BLOCK), lambda i: (i, 0, 0)),
        out_shape=jax.ShapeDtypeStruct((NBLOCKS_H, 1, BLOCK), jnp.float32),
        compiler_params=pltpu.CompilerParams(
            dimension_semantics=("arbitrary",)),
    )(shared_bias, types_h, g_h, w1t, b1row, fold8w)
    return e_atom.reshape(N_HALF)


def _sc_segsum(e_flat, sids):
    mesh = plsc.VectorSubcoreMesh(core_axis_name="c", subcore_axis_name="s")
    cp = pltpu.CompilerParams()
    if "needs_layout_passes" in pltpu.CompilerParams.__dataclass_fields__:
        cp = dataclasses.replace(cp, needs_layout_passes=False)

    @pl.kernel(
        out_type=jax.ShapeDtypeStruct((N_SC_UNITS, N_STRUCT), jnp.float32),
        mesh=mesh,
        compiler_params=cp,
        scratch_types=[
            pltpu.VMEM((SC_CHUNK,), jnp.float32),
            pltpu.VMEM((SC_CHUNK,), jnp.int32),
            pltpu.VMEM((N_STRUCT,), jnp.float32),
            pltpu.SemaphoreType.DMA,
        ],
    )
    def segsum_kernel(e_hbm, sid_hbm, out_hbm, e_vmem, sid_vmem, acc_vmem,
                      sem):
        unit = jax.lax.axis_index("c") * 16 + jax.lax.axis_index("s")
        base = unit * SC_CHUNK
        pltpu.async_copy(e_hbm.at[pl.ds(base, SC_CHUNK)], e_vmem, sem).wait()
        pltpu.async_copy(sid_hbm.at[pl.ds(base, SC_CHUNK)], sid_vmem,
                         sem).wait()

        @pl.loop(0, N_STRUCT, step=SC_VEC)
        def _(i):
            acc_vmem[pl.ds(i, SC_VEC)] = jnp.zeros((SC_VEC,), jnp.float32)

        @pl.loop(0, SC_CHUNK, step=SC_VEC)
        def _(i):
            ev = e_vmem[pl.ds(i, SC_VEC)]
            sv = sid_vmem[pl.ds(i, SC_VEC)]
            plsc.addupdate_scatter(acc_vmem, [sv], ev)

        pltpu.async_copy(acc_vmem, out_hbm.at[unit], sem).wait()

    return segsum_kernel(e_flat, sids)


def _sum_parts_kernel(parts_ref, etot_ref):
    etot_ref[...] = jnp.sum(parts_ref[...], axis=0, keepdims=True)


@jax.jit
def kernel(g_total, types, structure_ids, q_scaler, W1, b1, W2, shared_bias):
    w1t = (W1 * q_scaler[None, None, :]).reshape(N_ELEM * HIDDEN, D_DESC).T
    w1t = jnp.asarray(w1t, jnp.float32)
    eye8 = jnp.asarray(np.eye(N_ELEM, dtype=np.float32))
    fold8w = (W2[:, :, None] * eye8[:, None, :]).reshape(N_ELEM * HIDDEN,
                                                         N_ELEM)
    b1row = b1.reshape(1, N_ELEM * HIDDEN)

    e0 = _tc_mlp(shared_bias, types[:N_HALF], g_total[:N_HALF], w1t, b1row,
                 fold8w)
    p0 = _sc_segsum(e0, structure_ids[:N_HALF])
    e1 = _tc_mlp(shared_bias, types[N_HALF:], g_total[N_HALF:], w1t, b1row,
                 fold8w)
    p1 = _sc_segsum(e1, structure_ids[N_HALF:])

    e_tot = pl.pallas_call(
        _sum_parts_kernel,
        out_shape=jax.ShapeDtypeStruct((1, N_STRUCT), jnp.float32),
    )(jnp.concatenate([p0, p1], axis=0))

    return jnp.concatenate([e0, e1]), e_tot.reshape(N_STRUCT)

# --- scband reference (transcript-rebuilt; emitter-appended) ---
"""Pipeline reference for scband-nep-7249904796075 (READ-ONLY COPY).

The authoritative reference and input builder live on the scoring server;
editing this copy changes nothing except your own understanding.
"""

import jax, jax.numpy as jnp
import numpy as np

N_ATOMS = 131072
D_DESC = 48   # n_desc_radial (8) + n_desc_angular (8) * num_L (5; l_max=4 + 4body)
HIDDEN = 64
N_ELEM = 8
N_STRUCT = 256


def setup_inputs(seed: int = 0) -> dict:
    key = jax.random.key(seed)
    ks = jax.random.split(key, 8)
    g_total = jax.random.normal(ks[0], (N_ATOMS, D_DESC), dtype=jnp.float32)
    types = jax.random.randint(ks[1], (N_ATOMS,), 0, N_ELEM, dtype=jnp.int32)
    structure_ids = jnp.sort(jax.random.randint(ks[2], (N_ATOMS,), 0, N_STRUCT, dtype=jnp.int32))
    # learned params: descriptor scaler + per-element 2-layer MLP (tanh), final layer no bias
    q_scaler = jax.random.uniform(ks[3], (D_DESC,), dtype=jnp.float32, minval=0.5, maxval=1.5)
    W1 = jax.random.normal(ks[4], (N_ELEM, HIDDEN, D_DESC), dtype=jnp.float32) / np.sqrt(D_DESC)
    b1 = jax.random.normal(ks[5], (N_ELEM, HIDDEN), dtype=jnp.float32) * 0.01
    W2 = jax.random.normal(ks[6], (N_ELEM, HIDDEN), dtype=jnp.float32) / np.sqrt(HIDDEN)
    shared_bias = jnp.zeros((1,), dtype=jnp.float32)
    return {
        'g_total': g_total,
        'types': types,
        'structure_ids': structure_ids,
        'q_scaler': q_scaler,
        'W1': W1,
        'b1': b1,
        'W2': W2,
        'shared_bias': shared_bias,
    }


def reference(g_total, types, structure_ids, q_scaler, W1, b1, W2, shared_bias):
    # g_total = g_total * self.q_scaler
    g = g_total * q_scaler[None, :]
    # per-element MLP dispatch (the MoE-style routing over element types):
    # compute all experts densely, then select per-atom expert output by type.
    h = jnp.tanh(jnp.einsum('nd,ehd->neh', g, W1) + b1[None, :, :])
    e_all = jnp.einsum('neh,eh->ne', h, W2)
    e_atom = jnp.take_along_axis(e_all, types[:, None], axis=1)[:, 0] - shared_bias[0]
    # per-structure energies: e_total[s] = sum of e_atom over atoms in structure s
    e_total = jax.ops.segment_sum(e_atom, structure_ids, num_segments=N_STRUCT)
    return e_atom, e_total

if __name__ == "__main__":
    import jax
    _d = setup_inputs()
    print(jax.jit(kernel)(*tuple(_d.values())))

</pallas_src>

<mosaic_0001>
#map = affine_map<(d0, d1) -> (0)>
#map1 = affine_map<(d0, d1) -> (0, 0)>
module attributes {stable_mosaic.version = 14 : i64} {
  func.func @segsum_kernel(%arg0: i32, %arg1: i32, %arg2: memref<65536xf32, #tpu.memory_space<hbm>>, %arg3: memref<65536xi32, #tpu.memory_space<hbm>>, %arg4: memref<32x256xf32, #tpu.memory_space<hbm>>, %arg5: memref<2048xf32, #tpu.memory_space<vmem>>, %arg6: memref<2048xi32, #tpu.memory_space<vmem>>, %arg7: memref<256xf32, #tpu.memory_space<vmem>>, %arg8: memref<!tpu.dma_semaphore, #tpu.memory_space<semaphore_mem>>) attributes {dimension_semantics = [#tpu.dimension_semantics<core_parallel>, #tpu.dimension_semantics<subcore_parallel>], iteration_bounds = array<i64: 2, 16>, scalar_prefetch = 0 : i64, scratch_operands = 4 : i64, tpu.core_type = #tpu.core_type<sc_vector_subcore>, window_params = [{transform_indices = #map}, {transform_indices = #map}, {transform_indices = #map1}]} {
    %mul3A = arith.constant 16 : i32
    %mul3A_0 = arith.muli %arg0, %mul3A : i32
    %add3A = arith.addi %mul3A_0, %arg1 : i32
    %mul3A_1 = arith.constant 2048 : i32
    %mul3A_2 = arith.muli %add3A, %mul3A_1 : i32
    %dma_start3A = tpu.memref_slice %arg2[%mul3A_2] : memref<65536xf32, #tpu.memory_space<hbm>> -> memref<2048xf32, #tpu.memory_space<hbm>>
    %dma_start3A_3 = tpu.memref_slice %arg2[%mul3A_2] : memref<65536xf32, #tpu.memory_space<hbm>> -> memref<2048xf32, #tpu.memory_space<hbm>>
    tpu.enqueue_dma source(%dma_start3A_3 : memref<2048xf32, #tpu.memory_space<hbm>>) target(%arg5 : memref<2048xf32, #tpu.memory_space<vmem>>) target_semaphore(%arg8 : memref<!tpu.dma_semaphore, #tpu.memory_space<semaphore_mem>>)
    %dma_wait3A = tpu.memref_slice %arg2[%mul3A_2] : memref<65536xf32, #tpu.memory_space<hbm>> -> memref<2048xf32, #tpu.memory_space<hbm>>
    %dma_wait3A_4 = tpu.memref_slice %arg2[%mul3A_2] : memref<65536xf32, #tpu.memory_space<hbm>> -> memref<2048xf32, #tpu.memory_space<hbm>>
    tpu.wait_dma2 semaphore(%arg8 : memref<!tpu.dma_semaphore, #tpu.memory_space<semaphore_mem>>) src(%dma_wait3A_4 : memref<2048xf32, #tpu.memory_space<hbm>>) dst(%arg5 : memref<2048xf32, #tpu.memory_space<vmem>>)
    %dma_start3A_5 = tpu.memref_slice %arg3[%mul3A_2] : memref<65536xi32, #tpu.memory_space<hbm>> -> memref<2048xi32, #tpu.memory_space<hbm>>
    %dma_start3A_6 = tpu.memref_slice %arg3[%mul3A_2] : memref<65536xi32, #tpu.memory_space<hbm>> -> memref<2048xi32, #tpu.memory_space<hbm>>
    tpu.enqueue_dma source(%dma_start3A_6 : memref<2048xi32, #tpu.memory_space<hbm>>) target(%arg6 : memref<2048xi32, #tpu.memory_space<vmem>>) target_semaphore(%arg8 : memref<!tpu.dma_semaphore, #tpu.memory_space<semaphore_mem>>)
    %dma_wait3A_7 = tpu.memref_slice %arg3[%mul3A_2] : memref<65536xi32, #tpu.memory_space<hbm>> -> memref<2048xi32, #tpu.memory_space<hbm>>
    %dma_wait3A_8 = tpu.memref_slice %arg3[%mul3A_2] : memref<65536xi32, #tpu.memory_space<hbm>> -> memref<2048xi32, #tpu.memory_space<hbm>>
    tpu.wait_dma2 semaphore(%arg8 : memref<!tpu.dma_semaphore, #tpu.memory_space<semaphore_mem>>) src(%dma_wait3A_8 : memref<2048xi32, #tpu.memory_space<hbm>>) dst(%arg6 : memref<2048xi32, #tpu.memory_space<vmem>>)
    %scan3A = arith.constant 0 : i32
    %scan3A_9 = arith.constant 16 : i32
    %scan3A_10 = arith.addi %scan3A, %scan3A_9 : i32
    %scan3A_11 = arith.constant 1 : i32
    scf.for %scan3A_30 = %scan3A to %scan3A_10 step %scan3A_11  : i32 {
      %mul3A_31 = arith.constant 16 : i32
      %mul3A_32 = arith.muli %scan3A_30, %mul3A_31 : i32
      %add3A_33 = arith.constant 0 : i32
      %add3A_34 = arith.addi %add3A_33, %mul3A_32 : i32
      %broadcast_in_dim3A = arith.constant 0.000000e+00 : f32
      %broadcast_in_dim3A_35 = vector.broadcast %broadcast_in_dim3A : f32 to vector<16xf32>
      %swap3A = arith.index_cast %add3A_34 : i32 to index
      %swap3A_36 = tpu.vector_load %arg7[%swap3A] {strides = array<i32>} : memref<256xf32, #tpu.memory_space<vmem>>, vector<16xf32>,
      tpu.vector_store %arg7[%swap3A], %broadcast_in_dim3A_35 {strides = array<i32>} : memref<256xf32, #tpu.memory_space<vmem>>, vector<16xf32>,
    }
    %scan3A_12 = arith.constant 16 : i32
    %scan3A_13 = arith.constant 0 : i32
    %scan3A_14 = arith.constant 128 : i32
    %scan3A_15 = arith.addi %scan3A_13, %scan3A_14 : i32
    %scan3A_16 = arith.constant 1 : i32
    scf.for %scan3A_30 = %scan3A_13 to %scan3A_15 step %scan3A_16  : i32 {
      %mul3A_31 = arith.constant 16 : i32
      %mul3A_32 = arith.muli %scan3A_30, %mul3A_31 : i32
      %add3A_33 = arith.constant 0 : i32
      %add3A_34 = arith.addi %add3A_33, %mul3A_32 : i32
      %get3A = arith.index_cast %add3A_34 : i32 to index
      %get3A_35 = tpu.vector_load %arg5[%get3A] {strides = array<i32>} : memref<2048xf32, #tpu.memory_space<vmem>>, vector<16xf32>,
      %get3A_36 = arith.index_cast %add3A_34 : i32 to index
      %get3A_37 = tpu.vector_load %arg6[%get3A_36] {strides = array<i32>} : memref<2048xi32, #tpu.memory_space<vmem>>, vector<16xi32>,
      tpu.vector_store_idx %arg7[%get3A_37], %get3A_35 {add = true} : memref<256xf32, #tpu.memory_space<vmem>>[vector<16xi32>], vector<16xf32>,
    }
    %scan3A_17 = arith.constant 128 : i32
    %dma_start3A_18 = arith.constant 0 : i32
    %dma_start3A_19 = tpu.memref_slice %arg4[%add3A, %dma_start3A_18] : memref<32x256xf32, #tpu.memory_space<hbm>> -> memref<1x256xf32, #tpu.memory_space<hbm>>
    %dma_start3A_20 = tpu.memref_squeeze %dma_start3A_19 : memref<1x256xf32, #tpu.memory_space<hbm>> -> memref<256xf32, #tpu.memory_space<hbm>>
    %dma_start3A_21 = arith.constant 0 : i32
    %dma_start3A_22 = tpu.memref_slice %arg4[%add3A, %dma_start3A_21] : memref<32x256xf32, #tpu.memory_space<hbm>> -> memref<1x256xf32, #tpu.memory_space<hbm>>
    %dma_start3A_23 = tpu.memref_squeeze %dma_start3A_22 : memref<1x256xf32, #tpu.memory_space<hbm>> -> memref<256xf32, #tpu.memory_space<hbm>>
    tpu.enqueue_dma source(%arg7 : memref<256xf32, #tpu.memory_space<vmem>>) target(%dma_start3A_23 : memref<256xf32, #tpu.memory_space<hbm>>) target_semaphore(%arg8 : memref<!tpu.dma_semaphore, #tpu.memory_space<semaphore_mem>>)
    %dma_wait3A_24 = arith.constant 0 : i32
    %dma_wait3A_25 = tpu.memref_slice %arg4[%add3A, %dma_wait3A_24] : memref<32x256xf32, #tpu.memory_space<hbm>> -> memref<1x256xf32, #tpu.memory_space<hbm>>
    %dma_wait3A_26 = tpu.memref_squeeze %dma_wait3A_25 : memref<1x256xf32, #tpu.memory_space<hbm>> -> memref<256xf32, #tpu.memory_space<hbm>>
    %dma_wait3A_27 = arith.constant 0 : i32
    %dma_wait3A_28 = tpu.memref_slice %arg4[%add3A, %dma_wait3A_27] : memref<32x256xf32, #tpu.memory_space<hbm>> -> memref<1x256xf32, #tpu.memory_space<hbm>>
    %dma_wait3A_29 = tpu.memref_squeeze %dma_wait3A_28 : memref<1x256xf32, #tpu.memory_space<hbm>> -> memref<256xf32, #tpu.memory_space<hbm>>
    tpu.wait_dma2 semaphore(%arg8 : memref<!tpu.dma_semaphore, #tpu.memory_space<semaphore_mem>>) src(%arg7 : memref<256xf32, #tpu.memory_space<vmem>>) dst(%dma_wait3A_29 : memref<256xf32, #tpu.memory_space<hbm>>)
    return
  }
}

#map = affine_map<(d0, d1) -> (0)>
#map1 = affine_map<(d0, d1) -> (0, 0)>
module attributes {stable_mosaic.version = 14 : i64} {
  func.func @segsum_kernel(%arg0: i32, %arg1: i32, %arg2: memref<65536xf32, #tpu.memory_space<hbm>>, %arg3: memref<65536xi32, #tpu.memory_space<hbm>>, %arg4: memref<32x256xf32, #tpu.memory_space<hbm>>, %arg5: memref<2048xf32, #tpu.memory_space<vmem>>, %arg6: memref<2048xi32, #tpu.memory_space<vmem>>, %arg7: memref<256xf32, #tpu.memory_space<vmem>>, %arg8: memref<!tpu.dma_semaphore, #tpu.memory_space<semaphore_mem>>) attributes {dimension_semantics = [#tpu.dimension_semantics<core_parallel>, #tpu.dimension_semantics<subcore_parallel>], iteration_bounds = array<i64: 2, 16>, scalar_prefetch = 0 : i64, scratch_operands = 4 : i64, tpu.core_type = #tpu.core_type<sc_vector_subcore>, window_params = [{transform_indices = #map}, {transform_indices = #map}, {transform_indices = #map1}]} {
    %mul3A = arith.constant 16 : i32
    %mul3A_0 = arith.muli %arg0, %mul3A : i32
    %add3A = arith.addi %mul3A_0, %arg1 : i32
    %mul3A_1 = arith.constant 2048 : i32
    %mul3A_2 = arith.muli %add3A, %mul3A_1 : i32
    %dma_start3A = tpu.memref_slice %arg2[%mul3A_2] : memref<65536xf32, #tpu.memory_space<hbm>> -> memref<2048xf32, #tpu.memory_space<hbm>>
    %dma_start3A_3 = tpu.memref_slice %arg2[%mul3A_2] : memref<65536xf32, #tpu.memory_space<hbm>> -> memref<2048xf32, #tpu.memory_space<hbm>>
    tpu.enqueue_dma source(%dma_start3A_3 : memref<2048xf32, #tpu.memory_space<hbm>>) target(%arg5 : memref<2048xf32, #tpu.memory_space<vmem>>) target_semaphore(%arg8 : memref<!tpu.dma_semaphore, #tpu.memory_space<semaphore_mem>>)
    %dma_wait3A = tpu.memref_slice %arg2[%mul3A_2] : memref<65536xf32, #tpu.memory_space<hbm>> -> memref<2048xf32, #tpu.memory_space<hbm>>
    %dma_wait3A_4 = tpu.memref_slice %arg2[%mul3A_2] : memref<65536xf32, #tpu.memory_space<hbm>> -> memref<2048xf32, #tpu.memory_space<hbm>>
    tpu.wait_dma2 semaphore(%arg8 : memref<!tpu.dma_semaphore, #tpu.memory_space<semaphore_mem>>) src(%dma_wait3A_4 : memref<2048xf32, #tpu.memory_space<hbm>>) dst(%arg5 : memref<2048xf32, #tpu.memory_space<vmem>>)
    %dma_start3A_5 = tpu.memref_slice %arg3[%mul3A_2] : memref<65536xi32, #tpu.memory_space<hbm>> -> memref<2048xi32, #tpu.memory_space<hbm>>
    %dma_start3A_6 = tpu.memref_slice %arg3[%mul3A_2] : memref<65536xi32, #tpu.memory_space<hbm>> -> memref<2048xi32, #tpu.memory_space<hbm>>
    tpu.enqueue_dma source(%dma_start3A_6 : memref<2048xi32, #tpu.memory_space<hbm>>) target(%arg6 : memref<2048xi32, #tpu.memory_space<vmem>>) target_semaphore(%arg8 : memref<!tpu.dma_semaphore, #tpu.memory_space<semaphore_mem>>)
    %dma_wait3A_7 = tpu.memref_slice %arg3[%mul3A_2] : memref<65536xi32, #tpu.memory_space<hbm>> -> memref<2048xi32, #tpu.memory_space<hbm>>
    %dma_wait3A_8 = tpu.memref_slice %arg3[%mul3A_2] : memref<65536xi32, #tpu.memory_space<hbm>> -> memref<2048xi32, #tpu.memory_space<hbm>>
    tpu.wait_dma2 semaphore(%arg8 : memref<!tpu.dma_semaphore, #tpu.memory_space<semaphore_mem>>) src(%dma_wait3A_8 : memref<2048xi32, #tpu.memory_space<hbm>>) dst(%arg6 : memref<2048xi32, #tpu.memory_space<vmem>>)
    %scan3A = arith.constant 0 : i32
    %scan3A_9 = arith.constant 16 : i32
    %scan3A_10 = arith.addi %scan3A, %scan3A_9 : i32
    %scan3A_11 = arith.constant 1 : i32
    scf.for %scan3A_30 = %scan3A to %scan3A_10 step %scan3A_11  : i32 {
      %mul3A_31 = arith.constant 16 : i32
      %mul3A_32 = arith.muli %scan3A_30, %mul3A_31 : i32
      %add3A_33 = arith.constant 0 : i32
      %add3A_34 = arith.addi %add3A_33, %mul3A_32 : i32
      %broadcast_in_dim3A = arith.constant 0.000000e+00 : f32
      %broadcast_in_dim3A_35 = vector.broadcast %broadcast_in_dim3A : f32 to vector<16xf32>
      %swap3A = arith.index_cast %add3A_34 : i32 to index
      %swap3A_36 = tpu.vector_load %arg7[%swap3A] {strides = array<i32>} : memref<256xf32, #tpu.memory_space<vmem>>, vector<16xf32>,
      tpu.vector_store %arg7[%swap3A], %broadcast_in_dim3A_35 {strides = array<i32>} : memref<256xf32, #tpu.memory_space<vmem>>, vector<16xf32>,
    }
    %scan3A_12 = arith.constant 16 : i32
    %scan3A_13 = arith.constant 0 : i32
    %scan3A_14 = arith.constant 128 : i32
    %scan3A_15 = arith.addi %scan3A_13, %scan3A_14 : i32
    %scan3A_16 = arith.constant 1 : i32
    scf.for %scan3A_30 = %scan3A_13 to %scan3A_15 step %scan3A_16  : i32 {
      %mul3A_31 = arith.constant 16 : i32
      %mul3A_32 = arith.muli %scan3A_30, %mul3A_31 : i32
      %add3A_33 = arith.constant 0 : i32
      %add3A_34 = arith.addi %add3A_33, %mul3A_32 : i32
      %get3A = arith.index_cast %add3A_34 : i32 to index
      %get3A_35 = tpu.vector_load %arg5[%get3A] {strides = array<i32>} : memref<2048xf32, #tpu.memory_space<vmem>>, vector<16xf32>,
      %get3A_36 = arith.index_cast %add3A_34 : i32 to index
      %get3A_37 = tpu.vector_load %arg6[%get3A_36] {strides = array<i32>} : memref<2048xi32, #tpu.memory_space<vmem>>, vector<16xi32>,
      tpu.vector_store_idx %arg7[%get3A_37], %get3A_35 {add = true} : memref<256xf32, #tpu.memory_space<vmem>>[vector<16xi32>], vector<16xf32>,
    }
    %scan3A_17 = arith.constant 128 : i32
    %dma_start3A_18 = arith.constant 0 : i32
    %dma_start3A_19 = tpu.memref_slice %arg4[%add3A, %dma_start3A_18] : memref<32x256xf32, #tpu.memory_space<hbm>> -> memref<1x256xf32, #tpu.memory_space<hbm>>
    %dma_start3A_20 = tpu.memref_squeeze %dma_start3A_19 : memref<1x256xf32, #tpu.memory_space<hbm>> -> memref<256xf32, #tpu.memory_space<hbm>>
    %dma_start3A_21 = arith.constant 0 : i32
    %dma_start3A_22 = tpu.memref_slice %arg4[%add3A, %dma_start3A_21] : memref<32x256xf32, #tpu.memory_space<hbm>> -> memref<1x256xf32, #tpu.memory_space<hbm>>
    %dma_start3A_23 = tpu.memref_squeeze %dma_start3A_22 : memref<1x256xf32, #tpu.memory_space<hbm>> -> memref<256xf32, #tpu.memory_space<hbm>>
    tpu.enqueue_dma source(%arg7 : memref<256xf32, #tpu.memory_space<vmem>>) target(%dma_start3A_23 : memref<256xf32, #tpu.memory_space<hbm>>) target_semaphore(%arg8 : memref<!tpu.dma_semaphore, #tpu.memory_space<semaphore_mem>>)
    %dma_wait3A_24 = arith.constant 0 : i32
    %dma_wait3A_25 = tpu.memref_slice %arg4[%add3A, %dma_wait3A_24] : memref<32x256xf32, #tpu.memory_space<hbm>> -> memref<1x256xf32, #tpu.memory_space<hbm>>
    %dma_wait3A_26 = tpu.memref_squeeze %dma_wait3A_25 : memref<1x256xf32, #tpu.memory_space<hbm>> -> memref<256xf32, #tpu.memory_space<hbm>>
    %dma_wait3A_27 = arith.constant 0 : i32
    %dma_wait3A_28 = tpu.memref_slice %arg4[%add3A, %dma_wait3A_27] : memref<32x256xf32, #tpu.memory_space<hbm>> -> memref<1x256xf32, #tpu.memory_space<hbm>>
    %dma_wait3A_29 = tpu.memref_squeeze %dma_wait3A_28 : memref<1x256xf32, #tpu.memory_space<hbm>> -> memref<256xf32, #tpu.memory_space<hbm>>
    tpu.wait_dma2 semaphore(%arg8 : memref<!tpu.dma_semaphore, #tpu.memory_space<semaphore_mem>>) src(%arg7 : memref<256xf32, #tpu.memory_space<vmem>>) dst(%dma_wait3A_29 : memref<256xf32, #tpu.memory_space<hbm>>)
    return
  }
}

module attributes {stable_mosaic.version = 14 : i64} {
  func.func @_sum_parts_kernel(%arg0: memref<64x256xf32, #tpu.memory_space<vmem>>, %arg1: memref<1x256xf32, #tpu.memory_space<vmem>>) attributes {dimension_semantics = [], scalar_prefetch = 0 : i64, scratch_operands = 0 : i64, tpu.core_type = #tpu.core_type<tc>} {
    %get3A = arith.constant 0 : index
    %get3A_0 = arith.constant 0 : index
    %get3A_1 = vector.load %arg0[%get3A, %get3A_0] : memref<64x256xf32, #tpu.memory_space<vmem>>, vector<64x256xf32>
    %reduce_sum3A = arith.constant dense<0.000000e+00> : vector<256xf32>
    %reduce_sum3A_2 = vector.multi_reduction <add>, %get3A_1, %reduce_sum3A [0] : vector<64x256xf32> to vector<256xf32>
    %broadcast_in_dim3A = vector.shape_cast %reduce_sum3A_2 : vector<256xf32> to vector<1x256xf32>
    %swap3A = arith.constant 0 : index
    %swap3A_3 = arith.constant 0 : index
    %swap3A_4 = vector.load %arg1[%swap3A, %swap3A_3] : memref<1x256xf32, #tpu.memory_space<vmem>>, vector<1x256xf32>
    tpu.vector_store %arg1[%swap3A, %swap3A_3], %broadcast_in_dim3A {strides = array<i32>} : memref<1x256xf32, #tpu.memory_space<vmem>>, vector<1x256xf32>,
    return
  }
}

module attributes {stable_mosaic.version = 14 : i64} {
  func.func @_nep_block_kernel(%arg0: i32, %arg1: memref<1xf32, #tpu.memory_space<smem>>, %arg2: memref<8192xi32, #tpu.memory_space<vmem>>, %arg3: memref<8192x48xf32, #tpu.memory_space<vmem>>, %arg4: memref<48x512xf32, #tpu.memory_space<vmem>>, %arg5: memref<1x512xf32, #tpu.memory_space<vmem>>, %arg6: memref<512x8xf32, #tpu.memory_space<vmem>>, %arg7: memref<1x1x8192xf32, #tpu.memory_space<vmem>>) attributes {dimension_semantics = [#tpu.dimension_semantics<arbitrary>], iteration_bounds = array<i64: 8>, scalar_prefetch = 0 : i64, scratch_operands = 0 : i64, tpu.core_type = #tpu.core_type<tc>, window_params = [{transform_indices = @transform_0, window_bounds = array<i64: 1>}, {transform_indices = @transform_1, window_bounds = array<i64: 8192>}, {transform_indices = @transform_2, window_bounds = array<i64: 8192, 48>}, {pipeline_mode = #tpu.pipeline_mode<synchronous>, transform_indices = @transform_3, window_bounds = array<i64: 48, 512>}, {pipeline_mode = #tpu.pipeline_mode<synchronous>, transform_indices = @transform_4, window_bounds = array<i64: 1, 512>}, {pipeline_mode = #tpu.pipeline_mode<synchronous>, transform_indices = @transform_5, window_bounds = array<i64: 512, 8>}, {transform_indices = @transform_6, window_bounds = array<i64: 1, 1, 8192>}]} {
    %get3A = arith.constant 0 : index
    %get3A_0 = arith.constant 0 : index
    %get3A_1 = vector.load %arg3[%get3A, %get3A_0] : memref<8192x48xf32, #tpu.memory_space<vmem>>, vector<8192x48xf32>
    %get3A_2 = arith.constant 0 : index
    %get3A_3 = arith.constant 0 : index
    %get3A_4 = vector.load %arg4[%get3A_2, %get3A_3] : memref<48x512xf32, #tpu.memory_space<vmem>>, vector<48x512xf32>
    %dot_general3A = arith.constant dense<0.000000e+00> : vector<8192x512xf32>
    %dot_general3A_5 = tpu.matmul %get3A_1, %get3A_4, %dot_general3A {dimension_numbers = #tpu.dot_dimension_numbers<[1], [0], [0], [1], [0, 0, 1, 1], [], []>, transpose_lhs_hint = false} : vector<8192x48xf32>, vector<48x512xf32>, vector<8192x512xf32> -> vector<8192x512xf32>
    %get3A_6 = arith.constant 0 : index
    %get3A_7 = arith.constant 0 : index
    %get3A_8 = vector.load %arg5[%get3A_6, %get3A_7] : memref<1x512xf32, #tpu.memory_space<vmem>>, vector<1x512xf32>
    %add3A = vector.broadcast %get3A_8 : vector<1x512xf32> to vector<8192x512xf32>
    %add3A_9 = arith.addf %dot_general3A_5, %add3A : vector<8192x512xf32>
    %tanh3A = math.tanh %add3A_9 : vector<8192x512xf32>
    %get3A_10 = arith.constant 0 : index
    %get3A_11 = arith.constant 0 : index
    %get3A_12 = vector.load %arg6[%get3A_10, %get3A_11] : memref<512x8xf32, #tpu.memory_space<vmem>>, vector<512x8xf32>
    %dot_general3A_13 = arith.constant dense<0.000000e+00> : vector<8192x8xf32>
    %dot_general3A_14 = tpu.matmul %tanh3A, %get3A_12, %dot_general3A_13 {dimension_numbers = #tpu.dot_dimension_numbers<[1], [0], [0], [1], [0, 0, 1, 1], [], []>, transpose_lhs_hint = false} : vector<8192x512xf32>, vector<512x8xf32>, vector<8192x8xf32> -> vector<8192x8xf32>
    %get3A_15 = arith.constant 0 : index
    %get3A_16 = vector.load %arg2[%get3A_15] : memref<8192xi32, #tpu.memory_space<vmem>>, vector<8192xi32>
    %broadcast_in_dim3A = vector.shape_cast %get3A_16 : vector<8192xi32> to vector<8192x1xi32>
    %iota3A = tpu.iota {dimensions = array<i32: 1>} : vector<8192x8xi32>
    %eq3A = vector.broadcast %broadcast_in_dim3A : vector<8192x1xi32> to vector<8192x8xi32>
    %eq3A_17 = arith.cmpi eq, %eq3A, %iota3A : vector<8192x8xi32>
    %convert_element_type3A = arith.extui %eq3A_17 : vector<8192x8xi1> to vector<8192x8xi32>
    %convert_element_type3A_18 = arith.sitofp %convert_element_type3A : vector<8192x8xi32> to vector<8192x8xf32>
    %mul3A = arith.mulf %dot_general3A_14, %convert_element_type3A_18 : vector<8192x8xf32>
    %transpose3A = tpu.transpose %mul3A, [1, 0] : vector<8192x8xf32> -> vector<8x8192xf32>
    %reduce_sum3A = arith.constant dense<0.000000e+00> : vector<8192xf32>
    %reduce_sum3A_19 = vector.multi_reduction <add>, %transpose3A, %reduce_sum3A [0] : vector<8x8192xf32> to vector<8192xf32>
    %broadcast_in_dim3A_20 = vector.shape_cast %reduce_sum3A_19 : vector<8192xf32> to vector<1x8192xf32>
    %get3A_21 = arith.constant 0 : index
    %get3A_22 = memref.load %arg1[%get3A_21] : memref<1xf32, #tpu.memory_space<smem>>
    %sub3A = vector.broadcast %get3A_22 : f32 to vector<1x8192xf32>
    %sub3A_23 = arith.subf %broadcast_in_dim3A_20, %sub3A : vector<1x8192xf32>
    %swap3A = arith.constant 0 : index
    %swap3A_24 = arith.constant 0 : index
    %swap3A_25 = arith.constant 0 : index
    %swap3A_26 = vector.load %arg7[%swap3A, %swap3A_24, %swap3A_25] : memref<1x1x8192xf32, #tpu.memory_space<vmem>>, vector<1x1x8192xf32>
    %swap3A_27 = vector.shape_cast %swap3A_26 : vector<1x1x8192xf32> to vector<1x8192xf32>
    %swap3A_28 = vector.shape_cast %sub3A_23 : vector<1x8192xf32> to vector<1x1x8192xf32>
    tpu.vector_store %arg7[%swap3A, %swap3A_24, %swap3A_25], %swap3A_28 {strides = array<i32>} : memref<1x1x8192xf32, #tpu.memory_space<vmem>>, vector<1x1x8192xf32>,
    return
  }
  func.func @transform_0(%arg0: i32) -> i32 {
    %c0_i32 = arith.constant 0 : i32
    %c0_i32_0 = arith.constant 0 : i32
    return %c0_i32 : i32
  }
  func.func @transform_1(%arg0: i32) -> i32 {
    %c0_i32 = arith.constant 0 : i32
    return %arg0 : i32
  }
  func.func @transform_2(%arg0: i32) -> (i32, i32) {
    %c0_i32 = arith.constant 0 : i32
    %c0_i32_0 = arith.constant 0 : i32
    return %arg0, %c0_i32 : i32, i32
  }
  func.func @transform_3(%arg0: i32) -> (i32, i32) {
    %c0_i32 = arith.constant 0 : i32
    %c0_i32_0 = arith.constant 0 : i32
    %c0_i32_1 = arith.constant 0 : i32
    return %c0_i32, %c0_i32_0 : i32, i32
  }
  func.func @transform_4(%arg0: i32) -> (i32, i32) {
    %c0_i32 = arith.constant 0 : i32
    %c0_i32_0 = arith.constant 0 : i32
    %c0_i32_1 = arith.constant 0 : i32
    return %c0_i32, %c0_i32_0 : i32, i32
  }
  func.func @transform_5(%arg0: i32) -> (i32, i32) {
    %c0_i32 = arith.constant 0 : i32
    %c0_i32_0 = arith.constant 0 : i32
    %c0_i32_1 = arith.constant 0 : i32
    return %c0_i32, %c0_i32_0 : i32, i32
  }
  func.func @transform_6(%arg0: i32) -> (i32, i32, i32) {
    %c0_i32 = arith.constant 0 : i32
    %c0_i32_0 = arith.constant 0 : i32
    %c0_i32_1 = arith.constant 0 : i32
    return %arg0, %c0_i32, %c0_i32_0 : i32, i32, i32
  }
}

</mosaic_0001>

<sc_bundles>
// kernel: kernel.10.cloned.1.call-start
scs
__scs_entry_jumppad:
0x0: {  	(pc) =	sbr.rel $0x88, $3  }
0x1: {  	(tag) =	ssettag $0x0;
	lr =	simm.s32 $0x1  }
0x2: {  	[smem:$0x3F99] =	sst lr;
	_ =	strace $0xD0000000  }
0x3: {  	_ = 	snop  }
0x4: {  	_ = 	snop  }
0x5: {  	_ = 	snop  }
0x6: {  	_ = 	snop  }
0x7: {  	_ = 	snop  }
__scs_overlays_trampoline_lowered:
0x8: {  	[smem:$0x3FA8] =	sst s0  }
0x9: {  	[smem:$0x3FA9] =	sst s1  }
0xa: {  	[smem:$0x3FAA] =	sst s2  }
0xb: {  	[smem:$0x3FAB] =	sst s3  }
0xc: {  	[smem:$0x3FAC] =	sst s4  }
0xd: {  	[smem:$0x3FAD] =	sst s5  }
0xe: {  	[smem:$0x3FAE] =	sst s6  }
0xf: {  	[smem:$0x3FAF] =	sst s7  }
0x10: {  	[smem:$0x3FB0] =	sst s8  }
0x11: {  	[smem:$0x3FB1] =	sst s9;
	s0 =	simm.s32 @!p0 $0x0  }
0x12: {  	s1 =	sld [smem:$0x3F97];
	s0 =	simm.s32 @p0 $0x1  }
0x13: {  	[smem:$0x3FB2] =	sst s0;
	s0 =	simm.s32 @!p1 $0x0  }
0x14: {  	s2 =	sld [smem:$0x3F96];
	s0 =	simm.s32 @p1 $0x1  }
0x15: {  	[smem:$0x3FB3] =	sst s0;
	s0 =	simm.s32 @!p2 $0x0  }
0x16: {  	s3 =	sld [smem:$0x3FDB];
	s0 =	simm.s32 @p2 $0x1  }
0x17: {  	s4 =	simm.s32 $0x1BF5;
	[smem:$0x3FB5] =	sst s0  }
0x18: {  	s0 =	sld [smem:$0x3F98];
	_ =	swait.ge [sflag:s4], $0x0  }
0x19: {  	s7 =	sld [smem:$0x3F99]  }
0x1a: {  	s8 =	sadd.s32 $0xFFFFE003, lr  }
0x1b: {  	s9 =	sadd.s32 $0xFFFFFEF7, lr;
	s5 =	simm.s32 $0xFFFFFFFF;
	p2 =	slt.u32 s8, $0xFFFFF086  }
0x1c: {  	p1 =	slt.u32 s9, $0xF7A;
	s5 =	simm.s32 @!p2 $0x0  }
0x1d: {  	s5 =	simm.s32 @p1 $0x1;
	p0 =	seq.s32 s7, s2  }
0x1e: {  	s7 =	smul.u32 @!p0 $0xF7A, s2;
	p2 =	seq.s32 @!p0 s5, $0x0  }
0x1f: {  	s9 =	smul.u32 $0xF7A, s1;
	s8 =	simm.s32 @!p0 $0x1BF5;
	p2 =	por !p2, p0  }
0x20: {  	[sflag:s8] =	ssyncset.s32 @!p0 $0xFFFFF086;
	s6 =	sadd.s32 @!p0 s3, s7;
	s7 =	simm.s32 @!p0 $0x108  }
0x21: {  	s3 =	sadd.s32 s3, s9;
	s6 =	sadd.s32 @!p0 $0x88, s6;
	s7 =	simm.s32 @p2 $0x1082  }
0x22: {  	[simem:s7], [sflag:s8] =	dma.local @!p0 [hbm:s6], $0xF7A  }
0x23: {  	s9 =	sor.u32 $0xD0000000, s2;
	s6 =	simm.s32 $0x108;
	_ =	swait.ge @!p0 [sflag:s8], $0x0  }
0x24: {  	s3 =	sadd.s32 $0x88, s3;
	s6 =	simm.s32 @!p1 $0x1082;
	[sflag:s4] =	ssyncset.s32 $0xFFFFF086  }
0x25: {  	[simem:s6], [sflag:s4] =	dma.local [hbm:s3], $0xF7A  }
0x26: {  	[smem:$0x3F99] =	sst s1;
	(tag) =	ssettag s2;
	_ =	strace s9  }
0x27: {  	s1 =	sld [smem:$0x3FA9]  }
0x28: {  	s2 =	sld [smem:$0x3FAA]  }
0x29: {  	s4 =	sld [smem:$0x3FAC]  }
0x2a: {  	p0 =	seq.s32 s5, $0x0;
	s5 =	sld [smem:$0x3FAD]  }
0x2b: {  	s6 =	sld [smem:$0x3FAE]  }
0x2c: {  	s7 =	sld [smem:$0x3FAF]  }
0x2d: {  	s3 =	simm.s32 $0x108;
	s8 =	sld [smem:$0x3FB0]  }
0x2e: {  	s3 =	simm.s32 @!p0 $0x1082;
	s9 =	sld [smem:$0x3FB1]  }
0x2f: {  	lr =	sadd.s32 s0, s3;
	s0 =	sld [smem:$0x3FA8]  }
0x30: {  	s3 =	sld [smem:$0x3FAB]  }
0x31: {  	[smem:$0x3FB4] =	sst s10  }
0x32: {  	s10 =	sld [smem:$0x3FB2];
	_ =	sdelay $0x3  }
0x33: {  	p0 =	seq.s32 s10, $0x1;
	s10 =	sld [smem:$0x3FB4];
	_ =	sdelay $0x3  }
0x34: {  	[smem:$0x3FB4] =	sst s10  }
0x35: {  	s10 =	sld [smem:$0x3FB3];
	_ =	sdelay $0x3  }
0x36: {  	p1 =	seq.s32 s10, $0x1;
	s10 =	sld [smem:$0x3FB4];
	_ =	sdelay $0x3  }
0x37: {  	[smem:$0x3FB4] =	sst s10  }
0x38: {  	s10 =	sld [smem:$0x3FB5]  }
0x39: {  	_ = 	snop;
	(pc) =	sbr.ind lr, $3  }
0x3a: {  	_ = 	snop  }
0x3b: {  	_ = 	snop  }
0x3c: {  	p2 =	seq.s32 s10, $0x1;
	s10 =	sld [smem:$0x3FB4]  }
0x3d: {  	_ =	shalt  }
0x3e: {  	_ =	shalt  }
0x3f: {  	_ =	shalt  }
0x40: {  	_ =	shalt  }
0x41: {  	_ =	shalt  }
0x42: {  	_ =	shalt  }
0x43: {  	_ =	shalt  }
0x44: {  	_ =	shalt  }
0x45: {  	_ =	shalt  }
0x46: {  	_ =	shalt  }
0x47: {  	_ =	shalt  }
0x48: {  	_ =	shalt  }
0x49: {  	_ =	shalt  }
0x4a: {  	_ =	shalt  }
0x4b: {  	_ =	shalt  }
0x4c: {  	_ =	shalt  }
0x4d: {  	_ =	shalt  }
0x4e: {  	_ =	shalt  }
0x4f: {  	_ =	shalt  }
0x50: {  	_ =	shalt  }
0x51: {  	_ =	shalt  }
0x52: {  	_ =	shalt  }
0x53: {  	_ =	shalt  }
0x54: {  	_ =	shalt  }
0x55: {  	_ =	shalt  }
0x56: {  	_ =	shalt  }
0x57: {  	_ =	shalt  }
0x58: {  	_ =	shalt  }
0x59: {  	_ =	shalt  }
0x5a: {  	_ =	shalt  }
0x5b: {  	_ =	shalt  }
0x5c: {  	_ =	shalt  }
0x5d: {  	_ =	shalt  }
0x5e: {  	_ =	shalt  }
0x5f: {  	_ =	shalt  }
0x60: {  	_ =	shalt  }
0x61: {  	_ =	shalt  }
0x62: {  	_ =	shalt  }
0x63: {  	_ =	shalt  }
0x64: {  	_ =	shalt  }
0x65: {  	_ =	shalt  }
0x66: {  	_ =	shalt  }
0x67: {  	_ =	shalt  }
0x68: {  	_ =	shalt  }
0x69: {  	_ =	shalt  }
0x6a: {  	_ =	shalt  }
0x6b: {  	_ =	shalt  }
0x6c: {  	_ =	shalt  }
0x6d: {  	_ =	shalt  }
0x6e: {  	_ =	shalt  }
0x6f: {  	_ =	shalt  }
0x70: {  	_ =	shalt  }
0x71: {  	_ =	shalt  }
0x72: {  	_ =	shalt  }
0x73: {  	_ =	shalt  }
0x74: {  	_ =	shalt  }
0x75: {  	_ =	shalt  }
0x76: {  	_ =	shalt  }
0x77: {  	_ =	shalt  }
0x78: {  	_ =	shalt  }
0x79: {  	_ =	shalt  }
0x7a: {  	_ =	shalt  }
0x7b: {  	_ =	shalt  }
0x7c: {  	_ =	shalt  }
0x7d: {  	_ =	shalt  }
0x7e: {  	_ =	shalt  }
0x7f: {  	_ =	shalt  }
0x80: {  	_ =	shalt  }
0x81: {  	_ =	shalt  }
0x82: {  	_ =	shalt  }
0x83: {  	_ =	shalt  }
0x84: {  	_ =	shalt  }
0x85: {  	_ =	shalt  }
0x86: {  	_ =	shalt  }
0x87: {  	_ =	shalt  }
.Lfunc_end0:
.L_simem_size_0:
called_computation.1_lowered:
.L_overlay_start_0:
0x88: {  	s2 =	sld [smem:$0x3FD9]  }
0x89: {  	s3 =	sld [smem:$0x3FFE];
	_ =	sdelay $0x1  }
0x8a: {  	s1 =	srdreg.scid  }
0x8b: {  	s0 =	sand.u32 $0x1, s1  }
0x8c: {  	s16 =	sshll.u32 s0, $0xA;
	s2 =	sadd.s32 s3, s2  }
0x8d: {  	s2 =	sadd.s32 s2, s16  }
0x8e: {  	[smem:$0x3FC0] =	sst s2  }
0x8f: {  	_ = 	snop  }
0x90: {  	(tm) =	ssettm $0x1  }
0x91: {  	s17 =	sld [smem:$0x3FFB];
	_ =	sdelay $0x3  }
0x92: {  	_ =	strace s17  }
0x93: {  	s2 =	sld [smem:$0x3FFC];
	_ =	sdelay $0x3  }
0x94: {  	_ =	strace s2  }
0x95: {  	s2 =	sld [smem:$0x3FFD];
	_ =	sdelay $0x3  }
0x96: {  	_ =	strace s2  }
0x97: {  	_ =	strace $0x8FFFFFFF  }
0x98: {  	s18 =	sld [smem:$0x3FDB];
	_ =	sdelay $0x1  }
0x99: {  	s19 =	simm.s32 $_scs_section_size  }
0x9a: {  	s4 =	simm.s32 $_size__tile_overlayer_lowered;
	s5 =	simm.s32 $_tile_overlayer_lowered  }
0x9b: {  	s22 =	simm.s32 $0x1BFF;
	s21 =	sshll.u32 s5, $0x1;
	s2 =	sadd.s32 s19, s18  }
0x9c: {  	s6 =	simm.s32 $0x0;
	s20 =	sshll.u32 s4, $0x1;
	s4 =	sadd.s32 s21, s2  }
0x9d: {  	[timem:s6], [sflag:s22] =	dma.local [hbm:s4], s20  }
0x9e: {  	_ =	swait.ge [sflag:s22], s20  }
0x9f: {  	s3 =	ssub.s32 $0x0, s20;
	[sflag:s22] =	ssyncset.done $0x0  }
0xa0: {  	[sflag:s22] =	ssyncadd.s32 s3;
	_ =	sdelay $0x1  }
0xa1: {  	s23 =	simm.s32 $0x1B8B  }
0xa2: {  	_ =	swait.ge [sflag:s23], $0x1  }
0xa3: {  	[sflag:s23] =	ssyncset.done $0x0  }
0xa4: {  	s25 =	simm.s32 $0x1B8E;
	s24 =	sld [smem:$0x3FFE];
	[sflag:s23] =	ssyncadd.s32 $0xFFFFFFFF  }
0xa5: {  	s26 =	simm.s32 $execute0_lowered;
	[smem:$0x3FD2] =	sst s25  }
0xa6: {  	s4 =	sshll.u32 s26, $0x1;
	_ =	strace $0x80000046;
	[dreg:$0x1] =	wrdreg $0xFFFFFFFF  }
0xa7: {  	s28 =	simm.s32 $_size_execute0_lowered;
	s2 =	sadd.s32 s2, s4;
	[dreg:$0x0] =	wrdreg $0x0  }
0xa8: {  	s4 =	sshll.u32 s28, $0x1;
	[dreg:$0x2] =	wrdreg s2  }
0xa9: {  	[dreg:$0x3] =	wrdreg s4  }
0xaa: {  	[dreg:$0x4] =	wrdreg $0xC0  }
0xab: {  	_ =	task [dreg:s6], $0x5FFFF  }
0xac: {  	[dreg:$0x1] =	wrdreg $0xFFFFFFFF  }
0xad: {  	[dreg:$0x0] =	wrdreg $0x60  }
0xae: {  	[dreg:$0x2] =	wrdreg s24  }
0xaf: {  	[dreg:$0x3] =	wrdreg $0xA  }
0xb0: {  	_ =	task.clear_ibuf [dreg:s6], $0x4FFFF;
	_ =	strace $0x90000046  }
0xb1: {  	s29 =	simm.s32 $0xA;
	_ =	strace $0x80000048  }
0xb2: {  	_ =	swait.ge [sflag:s29], $0x1  }
0xb3: {  	[sflag:s29] =	ssyncadd.s32 $0xFFFFFFFF  }
0xb4: {  	_ =	strace $0x90000048  }
0xb5: {  	_ =	sfence  }
0xb6: {  	s30 =	sld [smem:$0x0];
	_ =	sdelay $0x2  }
0xb7: {  	s31 =	sshll.u32 s1, $0xD;
	s1 =	sshrl.u32 s1, $0x2  }
0xb8: {  	s3 =	sand.u32 $0x4000, s31;
	s1 =	sadd.s32 s1, s30  }
0xb9: {  	s0 =	sor.u32 s3, s0;
	s1 =	sshll.u32 s1, $0x11  }
0xba: {  	s0 =	sor.u32 s1, s0  }
0xbb: {  	s0 =	sadd.s32 $0x8F2B, s0  }
0xbc: {  	[sflag:s0] =	ssyncadd.remote.s32 $0x1  }
0xbd: {  	_ =	sfence.sel $0xFFFF  }
0xbe: {  	[dreg:$0x0] =	wrdreg $0xFFFFFFFF;
	(pc) =	sbr.abs _section_cstart, $3  }
0xbf: {  	[dreg:$0x1] =	wrdreg $0xFFFFFFFF  }
0xc0: {  	_ =	task.clear_ibuf [dreg:s6], $0x2FFFF;
	_ =	strace $0x9FFFFFFF  }
0xc1: {  	(tm) =	ssettm $0x7FFFFFFF  }
tec
execute0_lowered:
.L_overlay_start_1:
0x0: {  	(tag) =	ssettag $0x1  }
0x1: {  	s0 =	srdreg.scid  }
0x2: {  	s3 =	rddreg [dreg:$0x0];
	s1 =	stileid.u32;
	s2 =	simm.s32 $0x0  }
0x3: {  	s8 =	simm.s32 $0x800;
	s9 =	simm.s32 $0x1000;
	s10 =	simm.s32 $0x80  }
0x4: {  	s11 =	simm.s32 $0x400;
	s12 =	simm.s32 $0x0;
	s4 =	sand.u32 $0x1, s0  }
0x5: {  	s0 =	rddreg [dreg:$0x1];
	s6 =	sshll.u32 s1, $0x8;
	s5 =	sshll.u32 s4, $0xC  }
0x6: {  	s30 =	sshll.u32 s1, $0x7;
	[smem:$0x7FF] =	sst s2;
	s5 =	sor.u32 s6, s5  }
0x7: {  	s4 =	ssub.s32 $0x2, s4;
	s6 =	sand.u32 $0x380, s30;
	s7 =	sand.u32 $0x1800, s5  }
0x8: {  	_ =	strace $0x80000047;
	s31 =	sshrl.u32 s4, $0x1;
	s6 =	sor.u32 s6, s7  }
0x9: {  	s5 =	sadd.s32 s5, s3;
	s7 =	ssub.s32 s4, s31;
	s6 =	sshrl.u32 s6, $0x3  }
0xa: {  	s4 =	sadd.s32 $0x102200, s5;
	s6 =	sadd.s32 s6, s3;
	s3 =	sadd.s32 $0x2200, s5  }
0xb: {  	v0 =	vimm.f32 $0.0e+00;
	s5 =	sadd.s32 $0x4200, s6;
	s6 =	smax.u32 s7, $0x1;
	s7 =	simm.s32 $0x1  }
.LBB2_1:
0xc: {  	[tilespmem:s2], [sflag:$0x1] =	stream.linear.gather [hbm4b:s3+s2], $0x800, $0x38;
	[tilespmem:$0x1100] =	vst v63  }
0xd: {  	_ =	swait.ge [sflag:s7], $0x800  }
0xe: {  	[sflag:s7] =	ssyncset.done $0x0  }
0xf: {  	[sflag:s7] =	ssyncadd.s32 $0xFFFFF800  }
0x10: {  	[tilespmem:s8], [sflag:$0x1] =	stream.linear.gather [hbm4b:s4+s2], $0x800, $0x38;
	[tilespmem:$0x1100] =	vst v63  }
0x11: {  	_ =	swait.ge [sflag:s7], $0x800  }
0x12: {  	[sflag:s7] =	ssyncset.done $0x0  }
0x13: {  	[sflag:s7] =	ssyncadd.s32 $0xFFFFF800  }
0x14: {  	[tilespmem:$0x1000] =	vst v0  }
0x15: {  	[tilespmem:$0x1010] =	vst v0  }
0x16: {  	[tilespmem:$0x1020] =	vst v0  }
0x17: {  	[tilespmem:$0x1030] =	vst v0  }
0x18: {  	[tilespmem:$0x1040] =	vst v0  }
0x19: {  	[tilespmem:$0x1050] =	vst v0  }
0x1a: {  	[tilespmem:$0x1060] =	vst v0  }
0x1b: {  	[tilespmem:$0x1070] =	vst v0  }
0x1c: {  	[tilespmem:$0x1080] =	vst v0  }
0x1d: {  	[tilespmem:$0x1090] =	vst v0  }
0x1e: {  	[tilespmem:$0x10A0] =	vst v0  }
0x1f: {  	[tilespmem:$0x10B0] =	vst v0  }
0x20: {  	[tilespmem:$0x10C0] =	vst v0  }
0x21: {  	[tilespmem:$0x10D0] =	vst v0  }
0x22: {  	[tilespmem:$0x10E0] =	vst v0  }
0x23: {  	s14 =	simm.s32 $0x0;
	s13 =	simm.s32 $0x40;
	[tilespmem:$0x10F0] =	vst v0  }
.LBB2_2:
0x24: {  	p0 =	sne.s32 s13, $0x1FC0;
	v1 =	vld [tilespmem:s14+$0x800];
	_ =	sdelay $0x2  }
0x25: {  	v2 =	vld [tilespmem:s14+$0x0]  }
.Ltmp0:
0x26: {  	(pc) =	sbr.rel @p0 .LBB2_2-.Ltmp0, $2  }
0x27: {  	_ =	sdelay $0x2  }
0x28: {  	s14 =	sshra.s32 s13, $0x2;
	s13 =	sadd.s32 $0x40, s13;
	[tilespmem:v1+s9+$0x0] =	vst.idx.add.f32.msk $0xffff, v2  }
0x29: {  	v1 =	vld [tilespmem:s14+$0x800];
	_ =	sdelay $0x2  }
0x2a: {  	v2 =	vld [tilespmem:s14+$0x0];
	_ =	sdelay $0x2  }
0x2b: {  	s12 =	sadd.s32 $0x1, s12  }
0x2c: {  	p0 =	sne.s32 s12, s6  }
.Ltmp1:
0x2d: {  	[tilespmem:v1+s9+$0x0] =	vst.idx.add.f32.msk $0xffff, v2;
	(pc) =	sbr.rel @p0 .LBB2_1-.Ltmp1, $4  }
0x2e: {  	[hbm4b:s5+s10] =	stream.strided.scatter [tilespmem:s9], [sflag:$0x1], $0x100, s11, s10, $0x38;
	[tilespmem:$0x1100] =	vst v63  }
0x2f: {  	_ =	swait.ge [sflag:s7], $0x100  }
0x30: {  	[sflag:s7] =	ssyncset.done $0x0  }
0x31: {  	[sflag:s7] =	ssyncadd.s32 $0xFFFFFF00  }
0x32: {  	_ =	sfence.sel $0x180000  }
0x33: {  	[bflag:$0x0] =	sbarrier.arrive $0xFFFF  }
0x34: {  	p0 =	sne.s32 s1, $0x0;
	_ =	strace $0x90000047  }
0x35: {  	s0 =	sadd.s32 @!p0 $0x100000, s0;
	[bflag:$0x2] =	sbarrier.arrive $0xFFFF  }
0x36: {  	[sflag:s0] =	ssyncadd.tile.s32 @!p0 $0x1;
	_ =	shalt  }
.Lfunc_end2:
_tile_overlayer_lowered:
.L_overlay_start_2:
0x37: {  	(tag) =	ssettag $0x2  }
0x38: {  	s0 =	rddreg [dreg:$0x0];
	s2 =	stileid.u32  }
0x39: {  	s1 =	rddreg [dreg:$0x1];
	p0 =	sne.s32 s2, $0x0  }
0x3a: {  	s3 =	rddreg [dreg:$0x2];
	[bflag:$0x3] =	sbarrier.arrive $0xFFFF;
	s2 =	simm.s32 @!p0 $0x1C02  }
0x3b: {  	[timem:s3], [sflag:s2] =	dma.local @!p0 [hbm:s0], s1  }
0x3c: {  	s0 =	simm.s32 @!p0 $0x2  }
0x3d: {  	_ =	swait.ge @!p0 [sflag:s0], s1  }
0x3e: {  	s1 =	ssub.s32 @!p0 $0x0, s1;
	[sflag:s0] =	ssyncset.done @!p0 $0x0  }
0x3f: {  	[sflag:s0] =	ssyncadd.s32 @!p0 s1  }
0x40: {  	[bflag:$0x3] =	sbarrier.arrive $0xFFFF  }
0x41: {  	_ =	shalt  }

// kernel: kernel.7.cloned.1.call-start
scs
__scs_entry_jumppad:
0x0: {  	(pc) =	sbr.rel $0x88, $3  }
0x1: {  	(tag) =	ssettag $0x0;
	lr =	simm.s32 $0x1  }
0x2: {  	[smem:$0x3F99] =	sst lr;
	_ =	strace $0xD0000000  }
0x3: {  	_ = 	snop  }
0x4: {  	_ = 	snop  }
0x5: {  	_ = 	snop  }
0x6: {  	_ = 	snop  }
0x7: {  	_ = 	snop  }
__scs_overlays_trampoline_lowered:
0x8: {  	[smem:$0x3FA8] =	sst s0  }
0x9: {  	[smem:$0x3FA9] =	sst s1  }
0xa: {  	[smem:$0x3FAA] =	sst s2  }
0xb: {  	[smem:$0x3FAB] =	sst s3  }
0xc: {  	[smem:$0x3FAC] =	sst s4  }
0xd: {  	[smem:$0x3FAD] =	sst s5  }
0xe: {  	[smem:$0x3FAE] =	sst s6  }
0xf: {  	[smem:$0x3FAF] =	sst s7  }
0x10: {  	[smem:$0x3FB0] =	sst s8  }
0x11: {  	[smem:$0x3FB1] =	sst s9;
	s0 =	simm.s32 @!p0 $0x0  }
0x12: {  	s1 =	sld [smem:$0x3F97];
	s0 =	simm.s32 @p0 $0x1  }
0x13: {  	[smem:$0x3FB2] =	sst s0;
	s0 =	simm.s32 @!p1 $0x0  }
0x14: {  	s2 =	sld [smem:$0x3F96];
	s0 =	simm.s32 @p1 $0x1  }
0x15: {  	[smem:$0x3FB3] =	sst s0;
	s0 =	simm.s32 @!p2 $0x0  }
0x16: {  	s3 =	sld [smem:$0x3FDB];
	s0 =	simm.s32 @p2 $0x1  }
0x17: {  	s4 =	simm.s32 $0x1BF5;
	[smem:$0x3FB5] =	sst s0  }
0x18: {  	s0 =	sld [smem:$0x3F98];
	_ =	swait.ge [sflag:s4], $0x0  }
0x19: {  	s7 =	sld [smem:$0x3F99]  }
0x1a: {  	s8 =	sadd.s32 $0xFFFFE003, lr  }
0x1b: {  	s9 =	sadd.s32 $0xFFFFFEF7, lr;
	s5 =	simm.s32 $0xFFFFFFFF;
	p2 =	slt.u32 s8, $0xFFFFF086  }
0x1c: {  	p1 =	slt.u32 s9, $0xF7A;
	s5 =	simm.s32 @!p2 $0x0  }
0x1d: {  	s5 =	simm.s32 @p1 $0x1;
	p0 =	seq.s32 s7, s2  }
0x1e: {  	s7 =	smul.u32 @!p0 $0xF7A, s2;
	p2 =	seq.s32 @!p0 s5, $0x0  }
0x1f: {  	s9 =	smul.u32 $0xF7A, s1;
	s8 =	simm.s32 @!p0 $0x1BF5;
	p2 =	por !p2, p0  }
0x20: {  	[sflag:s8] =	ssyncset.s32 @!p0 $0xFFFFF086;
	s6 =	sadd.s32 @!p0 s3, s7;
	s7 =	simm.s32 @!p0 $0x108  }
0x21: {  	s3 =	sadd.s32 s3, s9;
	s6 =	sadd.s32 @!p0 $0x88, s6;
	s7 =	simm.s32 @p2 $0x1082  }
0x22: {  	[simem:s7], [sflag:s8] =	dma.local @!p0 [hbm:s6], $0xF7A  }
0x23: {  	s9 =	sor.u32 $0xD0000000, s2;
	s6 =	simm.s32 $0x108;
	_ =	swait.ge @!p0 [sflag:s8], $0x0  }
0x24: {  	s3 =	sadd.s32 $0x88, s3;
	s6 =	simm.s32 @!p1 $0x1082;
	[sflag:s4] =	ssyncset.s32 $0xFFFFF086  }
0x25: {  	[simem:s6], [sflag:s4] =	dma.local [hbm:s3], $0xF7A  }
0x26: {  	[smem:$0x3F99] =	sst s1;
	(tag) =	ssettag s2;
	_ =	strace s9  }
0x27: {  	s1 =	sld [smem:$0x3FA9]  }
0x28: {  	s2 =	sld [smem:$0x3FAA]  }
0x29: {  	s4 =	sld [smem:$0x3FAC]  }
0x2a: {  	p0 =	seq.s32 s5, $0x0;
	s5 =	sld [smem:$0x3FAD]  }
0x2b: {  	s6 =	sld [smem:$0x3FAE]  }
0x2c: {  	s7 =	sld [smem:$0x3FAF]  }
0x2d: {  	s3 =	simm.s32 $0x108;
	s8 =	sld [smem:$0x3FB0]  }
0x2e: {  	s3 =	simm.s32 @!p0 $0x1082;
	s9 =	sld [smem:$0x3FB1]  }
0x2f: {  	lr =	sadd.s32 s0, s3;
	s0 =	sld [smem:$0x3FA8]  }
0x30: {  	s3 =	sld [smem:$0x3FAB]  }
0x31: {  	[smem:$0x3FB4] =	sst s10  }
0x32: {  	s10 =	sld [smem:$0x3FB2];
	_ =	sdelay $0x3  }
0x33: {  	p0 =	seq.s32 s10, $0x1;
	s10 =	sld [smem:$0x3FB4];
	_ =	sdelay $0x3  }
0x34: {  	[smem:$0x3FB4] =	sst s10  }
0x35: {  	s10 =	sld [smem:$0x3FB3];
	_ =	sdelay $0x3  }
0x36: {  	p1 =	seq.s32 s10, $0x1;
	s10 =	sld [smem:$0x3FB4];
	_ =	sdelay $0x3  }
0x37: {  	[smem:$0x3FB4] =	sst s10  }
0x38: {  	s10 =	sld [smem:$0x3FB5]  }
0x39: {  	_ = 	snop;
	(pc) =	sbr.ind lr, $3  }
0x3a: {  	_ = 	snop  }
0x3b: {  	_ = 	snop  }
0x3c: {  	p2 =	seq.s32 s10, $0x1;
	s10 =	sld [smem:$0x3FB4]  }
0x3d: {  	_ =	shalt  }
0x3e: {  	_ =	shalt  }
0x3f: {  	_ =	shalt  }
0x40: {  	_ =	shalt  }
0x41: {  	_ =	shalt  }
0x42: {  	_ =	shalt  }
0x43: {  	_ =	shalt  }
0x44: {  	_ =	shalt  }
0x45: {  	_ =	shalt  }
0x46: {  	_ =	shalt  }
0x47: {  	_ =	shalt  }
0x48: {  	_ =	shalt  }
0x49: {  	_ =	shalt  }
0x4a: {  	_ =	shalt  }
0x4b: {  	_ =	shalt  }
0x4c: {  	_ =	shalt  }
0x4d: {  	_ =	shalt  }
0x4e: {  	_ =	shalt  }
0x4f: {  	_ =	shalt  }
0x50: {  	_ =	shalt  }
0x51: {  	_ =	shalt  }
0x52: {  	_ =	shalt  }
0x53: {  	_ =	shalt  }
0x54: {  	_ =	shalt  }
0x55: {  	_ =	shalt  }
0x56: {  	_ =	shalt  }
0x57: {  	_ =	shalt  }
0x58: {  	_ =	shalt  }
0x59: {  	_ =	shalt  }
0x5a: {  	_ =	shalt  }
0x5b: {  	_ =	shalt  }
0x5c: {  	_ =	shalt  }
0x5d: {  	_ =	shalt  }
0x5e: {  	_ =	shalt  }
0x5f: {  	_ =	shalt  }
0x60: {  	_ =	shalt  }
0x61: {  	_ =	shalt  }
0x62: {  	_ =	shalt  }
0x63: {  	_ =	shalt  }
0x64: {  	_ =	shalt  }
0x65: {  	_ =	shalt  }
0x66: {  	_ =	shalt  }
0x67: {  	_ =	shalt  }
0x68: {  	_ =	shalt  }
0x69: {  	_ =	shalt  }
0x6a: {  	_ =	shalt  }
0x6b: {  	_ =	shalt  }
0x6c: {  	_ =	shalt  }
0x6d: {  	_ =	shalt  }
0x6e: {  	_ =	shalt  }
0x6f: {  	_ =	shalt  }
0x70: {  	_ =	shalt  }
0x71: {  	_ =	shalt  }
0x72: {  	_ =	shalt  }
0x73: {  	_ =	shalt  }
0x74: {  	_ =	shalt  }
0x75: {  	_ =	shalt  }
0x76: {  	_ =	shalt  }
0x77: {  	_ =	shalt  }
0x78: {  	_ =	shalt  }
0x79: {  	_ =	shalt  }
0x7a: {  	_ =	shalt  }
0x7b: {  	_ =	shalt  }
0x7c: {  	_ =	shalt  }
0x7d: {  	_ =	shalt  }
0x7e: {  	_ =	shalt  }
0x7f: {  	_ =	shalt  }
0x80: {  	_ =	shalt  }
0x81: {  	_ =	shalt  }
0x82: {  	_ =	shalt  }
0x83: {  	_ =	shalt  }
0x84: {  	_ =	shalt  }
0x85: {  	_ =	shalt  }
0x86: {  	_ =	shalt  }
0x87: {  	_ =	shalt  }
.Lfunc_end0:
.L_simem_size_0:
called_computation_lowered:
.L_overlay_start_0:
0x88: {  	s2 =	sld [smem:$0x3FD9]  }
0x89: {  	s3 =	sld [smem:$0x3FFE];
	_ =	sdelay $0x1  }
0x8a: {  	s1 =	srdreg.scid  }
0x8b: {  	s0 =	sand.u32 $0x1, s1  }
0x8c: {  	s17 =	sshll.u32 s0, $0xA;
	s2 =	sadd.s32 s3, s2  }
0x8d: {  	s2 =	sadd.s32 s2, s17  }
0x8e: {  	[smem:$0x3FC0] =	sst s2  }
0x8f: {  	_ = 	snop  }
0x90: {  	(tm) =	ssettm $0x1  }
0x91: {  	s18 =	sld [smem:$0x3FFB];
	_ =	sdelay $0x3  }
0x92: {  	_ =	strace s18  }
0x93: {  	s2 =	sld [smem:$0x3FFC];
	_ =	sdelay $0x3  }
0x94: {  	_ =	strace s2  }
0x95: {  	s2 =	sld [smem:$0x3FFD];
	_ =	sdelay $0x3  }
0x96: {  	_ =	strace s2  }
0x97: {  	_ =	strace $0x8FFFFFFF  }
0x98: {  	s19 =	sld [smem:$0x3FDB];
	_ =	sdelay $0x1  }
0x99: {  	s20 =	simm.s32 $_scs_section_size  }
0x9a: {  	s4 =	simm.s32 $_size__tile_overlayer_lowered;
	s5 =	simm.s32 $_tile_overlayer_lowered  }
0x9b: {  	s6 =	simm.s32 $0x1BFF;
	s21 =	sshll.u32 s5, $0x1;
	s3 =	sadd.s32 s20, s19  }
0x9c: {  	s22 =	simm.s32 $0x0;
	s4 =	sshll.u32 s4, $0x1;
	s5 =	sadd.s32 s21, s3  }
0x9d: {  	[timem:s22], [sflag:s6] =	dma.local [hbm:s5], s4  }
0x9e: {  	_ =	swait.ge [sflag:s6], s4  }
0x9f: {  	s4 =	ssub.s32 $0x0, s4;
	[sflag:s6] =	ssyncset.done $0x0  }
0xa0: {  	[sflag:s6] =	ssyncadd.s32 s4;
	_ =	sdelay $0x1  }
0xa1: {  	s23 =	simm.s32 $0x1B8B  }
0xa2: {  	_ =	swait.ge [sflag:s23], $0x1  }
0xa3: {  	[sflag:s23] =	ssyncset.done $0x0  }
0xa4: {  	[sflag:s23] =	ssyncadd.s32 $0xFFFFFFFF  }
0xa5: {  	s4 =	sld [smem:$0x0]  }
0xa6: {  	s5 =	sand.u32 $0xFFFFFFFE, s1  }
0xa7: {  	p0 =	sne.s32 s1, s5  }
0xa8: {  	s5 =	sshll.u32 @p0 s5, $0xE  }
0xa9: {  	s5 =	sadd.s32 @p0 $0x11B8D, s5;
	s6 =	sshll.u32 @p0 s4, $0x11  }
0xaa: {  	s5 =	sor.u32 @p0 s6, s5  }
0xab: {  	[sflag:s5] =	ssyncadd.remote.s32 @p0 $0x1;
	_ =	sdelay $0x1  }
0xac: {  	s5 =	simm.s32 @p0 $0x1B8D  }
0xad: {  	_ =	swait.eq @p0 [sflag:s5], $0x1  }
0xae: {  	[sflag:s5] =	ssyncadd.s32 @p0 $0xFFFFFFFF  }
0xaf: {  	s6 =	sshll.u32 @!p0 s1, $0xE  }
0xb0: {  	s6 =	sor.u32 @!p0 $0x4000, s6;
	s5 =	simm.s32 @!p0 $0x1B8D  }
0xb1: {  	s4 =	sshll.u32 @!p0 s4, $0x11;
	s6 =	sadd.s32 @!p0 $0x11B8D, s6;
	_ =	swait.eq @!p0 [sflag:s5], $0x1  }
0xb2: {  	s4 =	sor.u32 @!p0 s4, s6;
	[sflag:s5] =	ssyncadd.s32 @!p0 $0xFFFFFFFF  }
0xb3: {  	s25 =	simm.s32 $0x1B8E;
	s24 =	sld [smem:$0x3FFE];
	[sflag:s4] =	ssyncadd.remote.s32 @!p0 $0x1  }
0xb4: {  	s26 =	simm.s32 $execute0_lowered;
	[smem:$0x3FD2] =	sst s25  }
0xb5: {  	s5 =	sshll.u32 s26, $0x1;
	_ =	strace $0x80000049;
	[dreg:$0x1] =	wrdreg $0xFFFFFFFF  }
0xb6: {  	s28 =	simm.s32 $_size_execute0_lowered;
	s3 =	sadd.s32 s3, s5;
	[dreg:$0x0] =	wrdreg $0x0  }
0xb7: {  	s5 =	sshll.u32 s28, $0x1;
	[dreg:$0x2] =	wrdreg s3  }
0xb8: {  	[dreg:$0x3] =	wrdreg s5  }
0xb9: {  	[dreg:$0x4] =	wrdreg $0xC0  }
0xba: {  	_ =	task [dreg:s22], $0x5FFFF  }
0xbb: {  	[dreg:$0x1] =	wrdreg $0xFFFFFFFF  }
0xbc: {  	[dreg:$0x0] =	wrdreg $0x60  }
0xbd: {  	[dreg:$0x2] =	wrdreg s24  }
0xbe: {  	[dreg:$0x3] =	wrdreg $0x9  }
0xbf: {  	_ =	task.clear_ibuf [dreg:s22], $0x4FFFF;
	_ =	strace $0x90000049  }
0xc0: {  	s29 =	simm.s32 $0x9;
	_ =	strace $0x8000004B  }
0xc1: {  	_ =	swait.ge [sflag:s29], $0x1  }
0xc2: {  	[sflag:s29] =	ssyncadd.s32 $0xFFFFFFFF  }
0xc3: {  	_ =	strace $0x9000004B  }
0xc4: {  	_ =	sfence  }
0xc5: {  	s30 =	sld [smem:$0x0];
	_ =	sdelay $0x2  }
0xc6: {  	s31 =	sshll.u32 s1, $0xD;
	s1 =	sshrl.u32 s1, $0x2  }
0xc7: {  	s4 =	sand.u32 $0x4000, s31;
	s1 =	sadd.s32 s1, s30  }
0xc8: {  	s0 =	sor.u32 s4, s0;
	s1 =	sshll.u32 s1, $0x11  }
0xc9: {  	s0 =	sor.u32 s1, s0  }
0xca: {  	s0 =	sadd.s32 $0x8F2B, s0  }
0xcb: {  	[sflag:s0] =	ssyncadd.remote.s32 $0x1  }
0xcc: {  	_ =	sfence.sel $0xFFFF  }
0xcd: {  	[dreg:$0x0] =	wrdreg $0xFFFFFFFF;
	(pc) =	sbr.abs _section_cstart, $3  }
0xce: {  	[dreg:$0x1] =	wrdreg $0xFFFFFFFF  }
0xcf: {  	_ =	task.clear_ibuf [dreg:s22], $0x2FFFF;
	_ =	strace $0x9FFFFFFF  }
0xd0: {  	(tm) =	ssettm $0x7FFFFFFF  }
0xd1: {  	_ =	shalt  }
tec
execute0_lowered:
.L_overlay_start_1:
0x0: {  	(tag) =	ssettag $0x1  }
0x1: {  	s0 =	srdreg.scid  }
0x2: {  	s3 =	rddreg [dreg:$0x0];
	s1 =	stileid.u32;
	s2 =	simm.s32 $0x0  }
0x3: {  	s8 =	simm.s32 $0x800;
	s9 =	simm.s32 $0x1000;
	s10 =	simm.s32 $0x80  }
0x4: {  	s11 =	simm.s32 $0x400;
	s12 =	simm.s32 $0x0;
	s4 =	sand.u32 $0x1, s0  }
0x5: {  	s0 =	rddreg [dreg:$0x1];
	s6 =	sshll.u32 s1, $0x8;
	s5 =	sshll.u32 s4, $0xC  }
0x6: {  	s30 =	sshll.u32 s1, $0x7;
	[smem:$0x7FF] =	sst s2;
	s5 =	sor.u32 s6, s5  }
0x7: {  	s4 =	ssub.s32 $0x2, s4;
	s6 =	sand.u32 $0x380, s30;
	s7 =	sand.u32 $0x1800, s5  }
0x8: {  	_ =	strace $0x8000004A;
	s31 =	sshrl.u32 s4, $0x1;
	s6 =	sor.u32 s6, s7  }
0x9: {  	s5 =	sadd.s32 s5, s3;
	s7 =	ssub.s32 s4, s31;
	s6 =	sshrl.u32 s6, $0x3  }
0xa: {  	s4 =	sadd.s32 $0x104200, s5;
	s6 =	sadd.s32 s6, s3;
	s3 =	sadd.s32 $0x4600, s5  }
0xb: {  	v0 =	vimm.f32 $0.0e+00;
	s5 =	sadd.s32 $0x6600, s6;
	s6 =	smax.u32 s7, $0x1;
	s7 =	simm.s32 $0x1  }
.LBB2_1:
0xc: {  	[tilespmem:s2], [sflag:$0x1] =	stream.linear.gather [hbm4b:s3+s2], $0x800, $0x38;
	[tilespmem:$0x1100] =	vst v63  }
0xd: {  	_ =	swait.ge [sflag:s7], $0x800  }
0xe: {  	[sflag:s7] =	ssyncset.done $0x0  }
0xf: {  	[sflag:s7] =	ssyncadd.s32 $0xFFFFF800  }
0x10: {  	[tilespmem:s8], [sflag:$0x1] =	stream.linear.gather [hbm4b:s4+s2], $0x800, $0x38;
	[tilespmem:$0x1100] =	vst v63  }
0x11: {  	_ =	swait.ge [sflag:s7], $0x800  }
0x12: {  	[sflag:s7] =	ssyncset.done $0x0  }
0x13: {  	[sflag:s7] =	ssyncadd.s32 $0xFFFFF800  }
0x14: {  	[tilespmem:$0x1000] =	vst v0  }
0x15: {  	[tilespmem:$0x1010] =	vst v0  }
0x16: {  	[tilespmem:$0x1020] =	vst v0  }
0x17: {  	[tilespmem:$0x1030] =	vst v0  }
0x18: {  	[tilespmem:$0x1040] =	vst v0  }
0x19: {  	[tilespmem:$0x1050] =	vst v0  }
0x1a: {  	[tilespmem:$0x1060] =	vst v0  }
0x1b: {  	[tilespmem:$0x1070] =	vst v0  }
0x1c: {  	[tilespmem:$0x1080] =	vst v0  }
0x1d: {  	[tilespmem:$0x1090] =	vst v0  }
0x1e: {  	[tilespmem:$0x10A0] =	vst v0  }
0x1f: {  	[tilespmem:$0x10B0] =	vst v0  }
0x20: {  	[tilespmem:$0x10C0] =	vst v0  }
0x21: {  	[tilespmem:$0x10D0] =	vst v0  }
0x22: {  	[tilespmem:$0x10E0] =	vst v0  }
0x23: {  	s14 =	simm.s32 $0x0;
	s13 =	simm.s32 $0x40;
	[tilespmem:$0x10F0] =	vst v0  }
.LBB2_2:
0x24: {  	p0 =	sne.s32 s13, $0x1FC0;
	v1 =	vld [tilespmem:s14+$0x800];
	_ =	sdelay $0x2  }
0x25: {  	v2 =	vld [tilespmem:s14+$0x0]  }
.Ltmp0:
0x26: {  	(pc) =	sbr.rel @p0 .LBB2_2-.Ltmp0, $2  }
0x27: {  	_ =	sdelay $0x2  }
0x28: {  	s14 =	sshra.s32 s13, $0x2;
	s13 =	sadd.s32 $0x40, s13;
	[tilespmem:v1+s9+$0x0] =	vst.idx.add.f32.msk $0xffff, v2  }
0x29: {  	v1 =	vld [tilespmem:s14+$0x800];
	_ =	sdelay $0x2  }
0x2a: {  	v2 =	vld [tilespmem:s14+$0x0];
	_ =	sdelay $0x2  }
0x2b: {  	s12 =	sadd.s32 $0x1, s12  }
0x2c: {  	p0 =	sne.s32 s12, s6  }
.Ltmp1:
0x2d: {  	[tilespmem:v1+s9+$0x0] =	vst.idx.add.f32.msk $0xffff, v2;
	(pc) =	sbr.rel @p0 .LBB2_1-.Ltmp1, $4  }
0x2e: {  	[hbm4b:s5+s10] =	stream.strided.scatter [tilespmem:s9], [sflag:$0x1], $0x100, s11, s10, $0x38;
	[tilespmem:$0x1100] =	vst v63  }
0x2f: {  	_ =	swait.ge [sflag:s7], $0x100  }
0x30: {  	[sflag:s7] =	ssyncset.done $0x0  }
0x31: {  	[sflag:s7] =	ssyncadd.s32 $0xFFFFFF00  }
0x32: {  	_ =	sfence.sel $0x180000  }
0x33: {  	[bflag:$0x0] =	sbarrier.arrive $0xFFFF  }
0x34: {  	p0 =	sne.s32 s1, $0x0;
	_ =	strace $0x9000004A  }
0x35: {  	s0 =	sadd.s32 @!p0 $0x100000, s0;
	[bflag:$0x2] =	sbarrier.arrive $0xFFFF  }
0x36: {  	[sflag:s0] =	ssyncadd.tile.s32 @!p0 $0x1;
	_ =	shalt  }
.Lfunc_end2:
_tile_overlayer_lowered:
.L_overlay_start_2:
0x37: {  	(tag) =	ssettag $0x2  }
0x38: {  	s0 =	rddreg [dreg:$0x0];
	s2 =	stileid.u32  }
0x39: {  	s1 =	rddreg [dreg:$0x1];
	p0 =	sne.s32 s2, $0x0  }
0x3a: {  	s3 =	rddreg [dreg:$0x2];
	[bflag:$0x3] =	sbarrier.arrive $0xFFFF;
	s2 =	simm.s32 @!p0 $0x1C02  }
0x3b: {  	[timem:s3], [sflag:s2] =	dma.local @!p0 [hbm:s0], s1  }
0x3c: {  	s0 =	simm.s32 @!p0 $0x2  }
0x3d: {  	_ =	swait.ge @!p0 [sflag:s0], s1  }
0x3e: {  	s1 =	ssub.s32 @!p0 $0x0, s1;
	[sflag:s0] =	ssyncset.done @!p0 $0x0  }
0x3f: {  	[sflag:s0] =	ssyncadd.s32 @!p0 s1  }
0x40: {  	[bflag:$0x3] =	sbarrier.arrive $0xFFFF  }
0x41: {  	_ =	shalt  }

</sc_bundles>
